<compile_context>
chip_gen: v7x
topology: tpu7x:2x2x1
jax: 0.10.2.dev20260603
libtpu: 0.0.44.dev20260713+nightly
codegen_flags: <defaults>
</compile_context>

<pallas_src>
import jax
import jax.numpy as jnp
from jax import lax
from jax.experimental import pallas as pl
from jax.experimental.pallas import tpu as pltpu
from jax.experimental.pallas import tpu_sc as plsc

N = 4096
D = 64
E = 131072

_NC = 2
_NS = 16
_NW = _NC * _NS
_EPT = E // _NW


def _scatter_body(edges_hbm, ones_hbm, mask_ref, src_v, dst_v, idx_v, ones_v,
                  sem):
    c = lax.axis_index("c")
    s = lax.axis_index("s")
    wid = s * _NC + c
    base = wid * _EPT
    pltpu.sync_copy(edges_hbm.at[pl.ds(base, _EPT)], src_v)
    pltpu.sync_copy(edges_hbm.at[pl.ds(E + base, _EPT)], dst_v)
    pltpu.sync_copy(ones_hbm, ones_v)

    @pl.loop(0, _EPT // 16, unroll=8)
    def _build(i):
        sv = src_v[pl.ds(i * 16, 16)]
        dv = dst_v[pl.ds(i * 16, 16)]
        idx_v[pl.ds(i * 16, 16)] = sv * N + dv

    pltpu.async_copy(ones_v, mask_ref.at[idx_v], sem).wait()


def _build_mask(edges_flat, ones, mask_ref):
    mesh = plsc.VectorSubcoreMesh(core_axis_name="c", subcore_axis_name="s")
    f = pl.kernel(
        _scatter_body,
        out_type=(),
        mesh=mesh,
        scratch_types=[
            pltpu.VMEM((_EPT,), jnp.int32),
            pltpu.VMEM((_EPT,), jnp.int32),
            pltpu.VMEM((_EPT,), jnp.int32),
            pltpu.VMEM((_EPT,), jnp.float32),
            pltpu.SemaphoreType.DMA,
        ],
    )
    f(edges_flat, ones, mask_ref)


def _attn_body(mask_ref, maskc_ref, hb_ref, hall_ref, aw_ref, ident_ref,
               out_ref):
    big = jnp.float32(1e38)
    hb = hb_ref[...]
    hall = hall_ref[...]
    aw = aw_ref[...]
    q = hb * aw
    s = lax.dot_general(
        q, hall, (((1,), (1,)), ((), ())),
        preferred_element_type=jnp.float32)
    s = jnp.maximum(s, 0.2 * s)
    mt = lax.dot_general(
        ident_ref[...], maskc_ref[...], (((1,), (1,)), ((), ())),
        preferred_element_type=jnp.float32)
    union = jnp.minimum(mask_ref[...] + mt, 1.0)
    sm = s + (union * big - big)
    m = jnp.max(sm, axis=1, keepdims=True)
    has = m > jnp.float32(-1e37)
    mc = jnp.where(has, m, 0.0)
    e = jnp.exp(sm - mc)
    den = jnp.sum(e, axis=1, keepdims=True)
    alpha = e * jnp.where(has, 1.0 / den, 0.0)
    out_ref[...] = lax.dot_general(
        alpha, hall, (((1,), (0,)), ((), ())),
        preferred_element_type=jnp.float32)


def _attention(mask, hidden, a_row, ident):
    n, d = hidden.shape
    br = 256
    grid = (n // br,)
    return pl.pallas_call(
        _attn_body,
        grid=grid,
        in_specs=[
            pl.BlockSpec((br, n), lambda i: (i, 0)),
            pl.BlockSpec((n, br), lambda i: (0, i)),
            pl.BlockSpec((br, d), lambda i: (i, 0)),
            pl.BlockSpec((n, d), lambda i: (0, 0)),
            pl.BlockSpec((1, d), lambda i: (0, 0)),
            pl.BlockSpec((br, br), lambda i: (0, 0)),
        ],
        out_specs=pl.BlockSpec((br, d), lambda i: (i, 0)),
        out_shape=jax.ShapeDtypeStruct((n, d), jnp.float32),
    )(mask, mask, hidden, hidden, a_row, ident)


@jax.jit
def _run(hidden, edge_index, a_w):
    n, d = hidden.shape
    edges_flat = edge_index.reshape(-1).astype(jnp.int32)
    ones = jnp.ones((_EPT,), jnp.float32)
    mask_ref = jax.new_ref(jnp.zeros((n * n,), jnp.float32))
    _build_mask(edges_flat, ones, mask_ref)
    mask = mask_ref[...].reshape(n, n)
    a_row = a_w.reshape(1, d)
    ident = jnp.eye(256, dtype=jnp.float32)
    return _attention(mask, hidden, a_row, ident)


def kernel(hidden, edge_index, batch, a_w):
    return _run(hidden, edge_index, a_w)

# --- scband reference (transcript-rebuilt; emitter-appended) ---
"""Pipeline reference for scband-session-aggregator-26104811225298 (READ-ONLY COPY).

The authoritative reference and input builder live on the scoring server;
editing this copy changes nothing except your own understanding.
"""

import jax, jax.numpy as jnp
import numpy as np

N = 4096
D = 64
E = 131072

def setup_inputs(seed: int = 0) -> dict:
    key = jax.random.key(seed)
    k1, k2, k3 = jax.random.split(key, 3)
    hidden = jax.random.normal(k1, (N, D), dtype=jnp.float32)
    edge_index = jax.random.randint(k2, (2, E), 0, N)
    batch = jnp.ones((N,), dtype=jnp.int32)
    # learned parameter of nn.Linear(hidden_size, 1, bias=False): weight shape (1, D) -> store as (D, 1)
    a_w = jax.random.normal(k3, (D, 1), dtype=jnp.float32) * 0.1
    return {"hidden": hidden, "edge_index": edge_index, "batch": batch, "a_w": a_w}


def reference(hidden, edge_index, batch, a_w):
    # to_dense_adj(edge_index): dense adjacency; duplicate edges collapse via nonzero()
    n = hidden.shape[0]
    adj = jnp.zeros((n, n), dtype=jnp.float32).at[edge_index[0], edge_index[1]].add(1.0)
    # neighbors(v) = unique(out-neighbors(v) U in-neighbors(v)) -> symmetrized mask
    mask = (adj + adj.T) > 0
    # alpha_{v,u} = leaky_relu( a . (h_u * h_v), 0.2 ) = leaky_relu((H * a) @ H^T)
    scores = jax.nn.leaky_relu((hidden * a_w[:, 0][None, :]) @ hidden.T, negative_slope=0.2)
    masked = jnp.where(mask, scores, -jnp.inf)
    m = jnp.max(masked, axis=1, keepdims=True)
    m = jnp.where(jnp.isfinite(m), m, 0.0)
    e = jnp.exp(masked - m)
    e = jnp.where(mask, e, 0.0)
    denom = jnp.sum(e, axis=1, keepdims=True)
    alpha = e / jnp.where(denom > 0, denom, 1.0)
    # weighted sum of neighbor features per node
    out = alpha @ hidden
    return out

if __name__ == "__main__":
    import jax
    _d = setup_inputs()
    print(jax.jit(kernel)(*tuple(_d.values())))

</pallas_src>

<mosaic_0001>
#map = affine_map<(d0, d1) -> (0)>
module attributes {stable_mosaic.version = 14 : i64} {
  func.func @new_body(%arg0: i32, %arg1: i32, %arg2: memref<262144xi32, #tpu.memory_space<hbm>>, %arg3: memref<4096xf32, #tpu.memory_space<hbm>>, %arg4: memref<16777216xf32, #tpu.memory_space<hbm>>, %arg5: memref<16777216xf32, #tpu.memory_space<hbm>>, %arg6: memref<4096xi32, #tpu.memory_space<vmem>>, %arg7: memref<4096xi32, #tpu.memory_space<vmem>>, %arg8: memref<4096xi32, #tpu.memory_space<vmem>>, %arg9: memref<4096xf32, #tpu.memory_space<vmem>>, %arg10: memref<!tpu.dma_semaphore, #tpu.memory_space<semaphore_mem>>) attributes {dimension_semantics = [#tpu.dimension_semantics<core_parallel>, #tpu.dimension_semantics<subcore_parallel>], iteration_bounds = array<i64: 2, 16>, scalar_prefetch = 0 : i64, scratch_operands = 5 : i64, tpu.core_type = #tpu.core_type<sc_vector_subcore>, window_params = [{transform_indices = #map}, {transform_indices = #map}, {transform_indices = #map}, {transform_indices = #map}]} {
    %mul3A = arith.constant 2 : i32
    %mul3A_0 = arith.muli %arg1, %mul3A : i32
    %add3A = arith.addi %mul3A_0, %arg0 : i32
    %mul3A_1 = arith.constant 4096 : i32
    %mul3A_2 = arith.muli %add3A, %mul3A_1 : i32
    "tpu.region"() ({
      %run_scoped3A = tpu.sem_alloc : memref<!tpu.dma_semaphore, #tpu.memory_space<semaphore_mem>>
      %dma_start3A_11 = tpu.memref_slice %arg2[%mul3A_2] : memref<262144xi32, #tpu.memory_space<hbm>> -> memref<4096xi32, #tpu.memory_space<hbm>>
      %dma_start3A_12 = tpu.memref_slice %arg2[%mul3A_2] : memref<262144xi32, #tpu.memory_space<hbm>> -> memref<4096xi32, #tpu.memory_space<hbm>>
      tpu.enqueue_dma source(%dma_start3A_12 : memref<4096xi32, #tpu.memory_space<hbm>>) target(%arg6 : memref<4096xi32, #tpu.memory_space<vmem>>) target_semaphore(%run_scoped3A : memref<!tpu.dma_semaphore, #tpu.memory_space<semaphore_mem>>)
      %dma_wait3A_13 = tpu.memref_slice %arg2[%mul3A_2] : memref<262144xi32, #tpu.memory_space<hbm>> -> memref<4096xi32, #tpu.memory_space<hbm>>
      %dma_wait3A_14 = tpu.memref_slice %arg2[%mul3A_2] : memref<262144xi32, #tpu.memory_space<hbm>> -> memref<4096xi32, #tpu.memory_space<hbm>>
      tpu.wait_dma2 semaphore(%run_scoped3A : memref<!tpu.dma_semaphore, #tpu.memory_space<semaphore_mem>>) src(%dma_wait3A_14 : memref<4096xi32, #tpu.memory_space<hbm>>) dst(%arg6 : memref<4096xi32, #tpu.memory_space<vmem>>)
      tpu.yield
    }) : () -> ()
    %add3A_3 = arith.constant 131072 : i32
    %add3A_4 = arith.addi %add3A_3, %mul3A_2 : i32
    "tpu.region"() ({
      %run_scoped3A = tpu.sem_alloc : memref<!tpu.dma_semaphore, #tpu.memory_space<semaphore_mem>>
      %dma_start3A_11 = tpu.memref_slice %arg2[%add3A_4] : memref<262144xi32, #tpu.memory_space<hbm>> -> memref<4096xi32, #tpu.memory_space<hbm>>
      %dma_start3A_12 = tpu.memref_slice %arg2[%add3A_4] : memref<262144xi32, #tpu.memory_space<hbm>> -> memref<4096xi32, #tpu.memory_space<hbm>>
      tpu.enqueue_dma source(%dma_start3A_12 : memref<4096xi32, #tpu.memory_space<hbm>>) target(%arg7 : memref<4096xi32, #tpu.memory_space<vmem>>) target_semaphore(%run_scoped3A : memref<!tpu.dma_semaphore, #tpu.memory_space<semaphore_mem>>)
      %dma_wait3A_13 = tpu.memref_slice %arg2[%add3A_4] : memref<262144xi32, #tpu.memory_space<hbm>> -> memref<4096xi32, #tpu.memory_space<hbm>>
      %dma_wait3A_14 = tpu.memref_slice %arg2[%add3A_4] : memref<262144xi32, #tpu.memory_space<hbm>> -> memref<4096xi32, #tpu.memory_space<hbm>>
      tpu.wait_dma2 semaphore(%run_scoped3A : memref<!tpu.dma_semaphore, #tpu.memory_space<semaphore_mem>>) src(%dma_wait3A_14 : memref<4096xi32, #tpu.memory_space<hbm>>) dst(%arg7 : memref<4096xi32, #tpu.memory_space<vmem>>)
      tpu.yield
    }) : () -> ()
    "tpu.region"() ({
      %run_scoped3A = tpu.sem_alloc : memref<!tpu.dma_semaphore, #tpu.memory_space<semaphore_mem>>
      tpu.enqueue_dma source(%arg3 : memref<4096xf32, #tpu.memory_space<hbm>>) target(%arg9 : memref<4096xf32, #tpu.memory_space<vmem>>) target_semaphore(%run_scoped3A : memref<!tpu.dma_semaphore, #tpu.memory_space<semaphore_mem>>)
      tpu.wait_dma2 semaphore(%run_scoped3A : memref<!tpu.dma_semaphore, #tpu.memory_space<semaphore_mem>>) src(%arg3 : memref<4096xf32, #tpu.memory_space<hbm>>) dst(%arg9 : memref<4096xf32, #tpu.memory_space<vmem>>)
      tpu.yield
    }) : () -> ()
    %scan3A = arith.constant 0 : i32
    %scan3A_5 = arith.constant 256 : i32
    %scan3A_6 = arith.addi %scan3A, %scan3A_5 : i32
    %scan3A_7 = arith.constant 8 : i32
    scf.for %scan3A_11 = %scan3A to %scan3A_6 step %scan3A_7  : i32 {
      %mul3A_12 = arith.constant 1 : i32
      %mul3A_13 = arith.muli %scan3A_11, %mul3A_12 : i32
      %add3A_14 = arith.constant 0 : i32
      %add3A_15 = arith.addi %add3A_14, %mul3A_13 : i32
      %mul3A_16 = arith.constant 16 : i32
      %mul3A_17 = arith.muli %add3A_15, %mul3A_16 : i32
      %get3A = arith.index_cast %mul3A_17 : i32 to index
      %get3A_18 = tpu.vector_load %arg6[%get3A] {strides = array<i32>} : memref<4096xi32, #tpu.memory_space<vmem>>, vector<16xi32>,
      %get3A_19 = vector.shape_cast %get3A_18 : vector<16xi32> to vector<16xi32>
      %mul3A_20 = arith.constant 16 : i32
      %mul3A_21 = arith.muli %add3A_15, %mul3A_20 : i32
      %get3A_22 = arith.index_cast %mul3A_21 : i32 to index
      %get3A_23 = tpu.vector_load %arg7[%get3A_22] {strides = array<i32>} : memref<4096xi32, #tpu.memory_space<vmem>>, vector<16xi32>,
      %get3A_24 = vector.shape_cast %get3A_23 : vector<16xi32> to vector<16xi32>
      %mul3A_25 = arith.constant 4096 : i32
      %mul3A_26 = vector.broadcast %mul3A_25 : i32 to vector<16xi32>
      %mul3A_27 = arith.muli %get3A_19, %mul3A_26 : vector<16xi32>
      %add3A_28 = arith.addi %mul3A_27, %get3A_24 : vector<16xi32>
      %mul3A_29 = arith.constant 16 : i32
      %mul3A_30 = arith.muli %add3A_15, %mul3A_29 : i32
      %swap3A = arith.index_cast %mul3A_30 : i32 to index
      %swap3A_31 = tpu.vector_load %arg8[%swap3A] {strides = array<i32>} : memref<4096xi32, #tpu.memory_space<vmem>>, vector<16xi32>,
      %swap3A_32 = vector.shape_cast %swap3A_31 : vector<16xi32> to vector<16xi32>
      %swap3A_33 = vector.shape_cast %add3A_28 : vector<16xi32> to vector<16xi32>
      tpu.vector_store %arg8[%swap3A], %swap3A_33 {strides = array<i32>} : memref<4096xi32, #tpu.memory_space<vmem>>, vector<16xi32>,
      %scan3A_34 = arith.constant 1 : i32
      %scan3A_35 = arith.addi %scan3A_11, %scan3A_34 : i32
      %mul3A_36 = arith.constant 1 : i32
      %mul3A_37 = arith.muli %scan3A_35, %mul3A_36 : i32
      %add3A_38 = arith.constant 0 : i32
      %add3A_39 = arith.addi %add3A_38, %mul3A_37 : i32
      %mul3A_40 = arith.constant 16 : i32
      %mul3A_41 = arith.muli %add3A_39, %mul3A_40 : i32
      %get3A_42 = arith.index_cast %mul3A_41 : i32 to index
      %get3A_43 = tpu.vector_load %arg6[%get3A_42] {strides = array<i32>} : memref<4096xi32, #tpu.memory_space<vmem>>, vector<16xi32>,
      %get3A_44 = vector.shape_cast %get3A_43 : vector<16xi32> to vector<16xi32>
      %mul3A_45 = arith.constant 16 : i32
      %mul3A_46 = arith.muli %add3A_39, %mul3A_45 : i32
      %get3A_47 = arith.index_cast %mul3A_46 : i32 to index
      %get3A_48 = tpu.vector_load %arg7[%get3A_47] {strides = array<i32>} : memref<4096xi32, #tpu.memory_space<vmem>>, vector<16xi32>,
      %get3A_49 = vector.shape_cast %get3A_48 : vector<16xi32> to vector<16xi32>
      %mul3A_50 = arith.constant 4096 : i32
      %mul3A_51 = vector.broadcast %mul3A_50 : i32 to vector<16xi32>
      %mul3A_52 = arith.muli %get3A_44, %mul3A_51 : vector<16xi32>
      %add3A_53 = arith.addi %mul3A_52, %get3A_49 : vector<16xi32>
      %mul3A_54 = arith.constant 16 : i32
      %mul3A_55 = arith.muli %add3A_39, %mul3A_54 : i32
      %swap3A_56 = arith.index_cast %mul3A_55 : i32 to index
      %swap3A_57 = tpu.vector_load %arg8[%swap3A_56] {strides = array<i32>} : memref<4096xi32, #tpu.memory_space<vmem>>, vector<16xi32>,
      %swap3A_58 = vector.shape_cast %swap3A_57 : vector<16xi32> to vector<16xi32>
      %swap3A_59 = vector.shape_cast %add3A_53 : vector<16xi32> to vector<16xi32>
      tpu.vector_store %arg8[%swap3A_56], %swap3A_59 {strides = array<i32>} : memref<4096xi32, #tpu.memory_space<vmem>>, vector<16xi32>,
      %scan3A_60 = arith.constant 2 : i32
      %scan3A_61 = arith.addi %scan3A_11, %scan3A_60 : i32
      %mul3A_62 = arith.constant 1 : i32
      %mul3A_63 = arith.muli %scan3A_61, %mul3A_62 : i32
      %add3A_64 = arith.constant 0 : i32
      %add3A_65 = arith.addi %add3A_64, %mul3A_63 : i32
      %mul3A_66 = arith.constant 16 : i32
      %mul3A_67 = arith.muli %add3A_65, %mul3A_66 : i32
      %get3A_68 = arith.index_cast %mul3A_67 : i32 to index
      %get3A_69 = tpu.vector_load %arg6[%get3A_68] {strides = array<i32>} : memref<4096xi32, #tpu.memory_space<vmem>>, vector<16xi32>,
      %get3A_70 = vector.shape_cast %get3A_69 : vector<16xi32> to vector<16xi32>
      %mul3A_71 = arith.constant 16 : i32
      %mul3A_72 = arith.muli %add3A_65, %mul3A_71 : i32
      %get3A_73 = arith.index_cast %mul3A_72 : i32 to index
      %get3A_74 = tpu.vector_load %arg7[%get3A_73] {strides = array<i32>} : memref<4096xi32, #tpu.memory_space<vmem>>, vector<16xi32>,
      %get3A_75 = vector.shape_cast %get3A_74 : vector<16xi32> to vector<16xi32>
      %mul3A_76 = arith.constant 4096 : i32
      %mul3A_77 = vector.broadcast %mul3A_76 : i32 to vector<16xi32>
      %mul3A_78 = arith.muli %get3A_70, %mul3A_77 : vector<16xi32>
      %add3A_79 = arith.addi %mul3A_78, %get3A_75 : vector<16xi32>
      %mul3A_80 = arith.constant 16 : i32
      %mul3A_81 = arith.muli %add3A_65, %mul3A_80 : i32
      %swap3A_82 = arith.index_cast %mul3A_81 : i32 to index
      %swap3A_83 = tpu.vector_load %arg8[%swap3A_82] {strides = array<i32>} : memref<4096xi32, #tpu.memory_space<vmem>>, vector<16xi32>,
      %swap3A_84 = vector.shape_cast %swap3A_83 : vector<16xi32> to vector<16xi32>
      %swap3A_85 = vector.shape_cast %add3A_79 : vector<16xi32> to vector<16xi32>
      tpu.vector_store %arg8[%swap3A_82], %swap3A_85 {strides = array<i32>} : memref<4096xi32, #tpu.memory_space<vmem>>, vector<16xi32>,
      %scan3A_86 = arith.constant 3 : i32
      %scan3A_87 = arith.addi %scan3A_11, %scan3A_86 : i32
      %mul3A_88 = arith.constant 1 : i32
      %mul3A_89 = arith.muli %scan3A_87, %mul3A_88 : i32
      %add3A_90 = arith.constant 0 : i32
      %add3A_91 = arith.addi %add3A_90, %mul3A_89 : i32
      %mul3A_92 = arith.constant 16 : i32
      %mul3A_93 = arith.muli %add3A_91, %mul3A_92 : i32
      %get3A_94 = arith.index_cast %mul3A_93 : i32 to index
      %get3A_95 = tpu.vector_load %arg6[%get3A_94] {strides = array<i32>} : memref<4096xi32, #tpu.memory_space<vmem>>, vector<16xi32>,
      %get3A_96 = vector.shape_cast %get3A_95 : vector<16xi32> to vector<16xi32>
      %mul3A_97 = arith.constant 16 : i32
      %mul3A_98 = arith.muli %add3A_91, %mul3A_97 : i32
      %get3A_99 = arith.index_cast %mul3A_98 : i32 to index
      %get3A_100 = tpu.vector_load %arg7[%get3A_99] {strides = array<i32>} : memref<4096xi32, #tpu.memory_space<vmem>>, vector<16xi32>,
      %get3A_101 = vector.shape_cast %get3A_100 : vector<16xi32> to vector<16xi32>
      %mul3A_102 = arith.constant 4096 : i32
      %mul3A_103 = vector.broadcast %mul3A_102 : i32 to vector<16xi32>
      %mul3A_104 = arith.muli %get3A_96, %mul3A_103 : vector<16xi32>
      %add3A_105 = arith.addi %mul3A_104, %get3A_101 : vector<16xi32>
      %mul3A_106 = arith.constant 16 : i32
      %mul3A_107 = arith.muli %add3A_91, %mul3A_106 : i32
      %swap3A_108 = arith.index_cast %mul3A_107 : i32 to index
      %swap3A_109 = tpu.vector_load %arg8[%swap3A_108] {strides = array<i32>} : memref<4096xi32, #tpu.memory_space<vmem>>, vector<16xi32>,
      %swap3A_110 = vector.shape_cast %swap3A_109 : vector<16xi32> to vector<16xi32>
      %swap3A_111 = vector.shape_cast %add3A_105 : vector<16xi32> to vector<16xi32>
      tpu.vector_store %arg8[%swap3A_108], %swap3A_111 {strides = array<i32>} : memref<4096xi32, #tpu.memory_space<vmem>>, vector<16xi32>,
      %scan3A_112 = arith.constant 4 : i32
      %scan3A_113 = arith.addi %scan3A_11, %scan3A_112 : i32
      %mul3A_114 = arith.constant 1 : i32
      %mul3A_115 = arith.muli %scan3A_113, %mul3A_114 : i32
      %add3A_116 = arith.constant 0 : i32
      %add3A_117 = arith.addi %add3A_116, %mul3A_115 : i32
      %mul3A_118 = arith.constant 16 : i32
      %mul3A_119 = arith.muli %add3A_117, %mul3A_118 : i32
      %get3A_120 = arith.index_cast %mul3A_119 : i32 to index
      %get3A_121 = tpu.vector_load %arg6[%get3A_120] {strides = array<i32>} : memref<4096xi32, #tpu.memory_space<vmem>>, vector<16xi32>,
      %get3A_122 = vector.shape_cast %get3A_121 : vector<16xi32> to vector<16xi32>
      %mul3A_123 = arith.constant 16 : i32
      %mul3A_124 = arith.muli %add3A_117, %mul3A_123 : i32
      %get3A_125 = arith.index_cast %mul3A_124 : i32 to index
      %get3A_126 = tpu.vector_load %arg7[%get3A_125] {strides = array<i32>} : memref<4096xi32, #tpu.memory_space<vmem>>, vector<16xi32>,
      %get3A_127 = vector.shape_cast %get3A_126 : vector<16xi32> to vector<16xi32>
      %mul3A_128 = arith.constant 4096 : i32
      %mul3A_129 = vector.broadcast %mul3A_128 : i32 to vector<16xi32>
      %mul3A_130 = arith.muli %get3A_122, %mul3A_129 : vector<16xi32>
      %add3A_131 = arith.addi %mul3A_130, %get3A_127 : vector<16xi32>
      %mul3A_132 = arith.constant 16 : i32
      %mul3A_133 = arith.muli %add3A_117, %mul3A_132 : i32
      %swap3A_134 = arith.index_cast %mul3A_133 : i32 to index
      %swap3A_135 = tpu.vector_load %arg8[%swap3A_134] {strides = array<i32>} : memref<4096xi32, #tpu.memory_space<vmem>>, vector<16xi32>,
      %swap3A_136 = vector.shape_cast %swap3A_135 : vector<16xi32> to vector<16xi32>
      %swap3A_137 = vector.shape_cast %add3A_131 : vector<16xi32> to vector<16xi32>
      tpu.vector_store %arg8[%swap3A_134], %swap3A_137 {strides = array<i32>} : memref<4096xi32, #tpu.memory_space<vmem>>, vector<16xi32>,
      %scan3A_138 = arith.constant 5 : i32
      %scan3A_139 = arith.addi %scan3A_11, %scan3A_138 : i32
      %mul3A_140 = arith.constant 1 : i32
      %mul3A_141 = arith.muli %scan3A_139, %mul3A_140 : i32
      %add3A_142 = arith.constant 0 : i32
      %add3A_143 = arith.addi %add3A_142, %mul3A_141 : i32
      %mul3A_144 = arith.constant 16 : i32
      %mul3A_145 = arith.muli %add3A_143, %mul3A_144 : i32
      %get3A_146 = arith.index_cast %mul3A_145 : i32 to index
      %get3A_147 = tpu.vector_load %arg6[%get3A_146] {strides = array<i32>} : memref<4096xi32, #tpu.memory_space<vmem>>, vector<16xi32>,
      %get3A_148 = vector.shape_cast %get3A_147 : vector<16xi32> to vector<16xi32>
      %mul3A_149 = arith.constant 16 : i32
      %mul3A_150 = arith.muli %add3A_143, %mul3A_149 : i32
      %get3A_151 = arith.index_cast %mul3A_150 : i32 to index
      %get3A_152 = tpu.vector_load %arg7[%get3A_151] {strides = array<i32>} : memref<4096xi32, #tpu.memory_space<vmem>>, vector<16xi32>,
      %get3A_153 = vector.shape_cast %get3A_152 : vector<16xi32> to vector<16xi32>
      %mul3A_154 = arith.constant 4096 : i32
      %mul3A_155 = vector.broadcast %mul3A_154 : i32 to vector<16xi32>
      %mul3A_156 = arith.muli %get3A_148, %mul3A_155 : vector<16xi32>
      %add3A_157 = arith.addi %mul3A_156, %get3A_153 : vector<16xi32>
      %mul3A_158 = arith.constant 16 : i32
      %mul3A_159 = arith.muli %add3A_143, %mul3A_158 : i32
      %swap3A_160 = arith.index_cast %mul3A_159 : i32 to index
      %swap3A_161 = tpu.vector_load %arg8[%swap3A_160] {strides = array<i32>} : memref<4096xi32, #tpu.memory_space<vmem>>, vector<16xi32>,
      %swap3A_162 = vector.shape_cast %swap3A_161 : vector<16xi32> to vector<16xi32>
      %swap3A_163 = vector.shape_cast %add3A_157 : vector<16xi32> to vector<16xi32>
      tpu.vector_store %arg8[%swap3A_160], %swap3A_163 {strides = array<i32>} : memref<4096xi32, #tpu.memory_space<vmem>>, vector<16xi32>,
      %scan3A_164 = arith.constant 6 : i32
      %scan3A_165 = arith.addi %scan3A_11, %scan3A_164 : i32
      %mul3A_166 = arith.constant 1 : i32
      %mul3A_167 = arith.muli %scan3A_165, %mul3A_166 : i32
      %add3A_168 = arith.constant 0 : i32
      %add3A_169 = arith.addi %add3A_168, %mul3A_167 : i32
      %mul3A_170 = arith.constant 16 : i32
      %mul3A_171 = arith.muli %add3A_169, %mul3A_170 : i32
      %get3A_172 = arith.index_cast %mul3A_171 : i32 to index
      %get3A_173 = tpu.vector_load %arg6[%get3A_172] {strides = array<i32>} : memref<4096xi32, #tpu.memory_space<vmem>>, vector<16xi32>,
      %get3A_174 = vector.shape_cast %get3A_173 : vector<16xi32> to vector<16xi32>
      %mul3A_175 = arith.constant 16 : i32
      %mul3A_176 = arith.muli %add3A_169, %mul3A_175 : i32
      %get3A_177 = arith.index_cast %mul3A_176 : i32 to index
      %get3A_178 = tpu.vector_load %arg7[%get3A_177] {strides = array<i32>} : memref<4096xi32, #tpu.memory_space<vmem>>, vector<16xi32>,
      %get3A_179 = vector.shape_cast %get3A_178 : vector<16xi32> to vector<16xi32>
      %mul3A_180 = arith.constant 4096 : i32
      %mul3A_181 = vector.broadcast %mul3A_180 : i32 to vector<16xi32>
      %mul3A_182 = arith.muli %get3A_174, %mul3A_181 : vector<16xi32>
      %add3A_183 = arith.addi %mul3A_182, %get3A_179 : vector<16xi32>
      %mul3A_184 = arith.constant 16 : i32
      %mul3A_185 = arith.muli %add3A_169, %mul3A_184 : i32
      %swap3A_186 = arith.index_cast %mul3A_185 : i32 to index
      %swap3A_187 = tpu.vector_load %arg8[%swap3A_186] {strides = array<i32>} : memref<4096xi32, #tpu.memory_space<vmem>>, vector<16xi32>,
      %swap3A_188 = vector.shape_cast %swap3A_187 : vector<16xi32> to vector<16xi32>
      %swap3A_189 = vector.shape_cast %add3A_183 : vector<16xi32> to vector<16xi32>
      tpu.vector_store %arg8[%swap3A_186], %swap3A_189 {strides = array<i32>} : memref<4096xi32, #tpu.memory_space<vmem>>, vector<16xi32>,
      %scan3A_190 = arith.constant 7 : i32
      %scan3A_191 = arith.addi %scan3A_11, %scan3A_190 : i32
      %mul3A_192 = arith.constant 1 : i32
      %mul3A_193 = arith.muli %scan3A_191, %mul3A_192 : i32
      %add3A_194 = arith.constant 0 : i32
      %add3A_195 = arith.addi %add3A_194, %mul3A_193 : i32
      %mul3A_196 = arith.constant 16 : i32
      %mul3A_197 = arith.muli %add3A_195, %mul3A_196 : i32
      %get3A_198 = arith.index_cast %mul3A_197 : i32 to index
      %get3A_199 = tpu.vector_load %arg6[%get3A_198] {strides = array<i32>} : memref<4096xi32, #tpu.memory_space<vmem>>, vector<16xi32>,
      %get3A_200 = vector.shape_cast %get3A_199 : vector<16xi32> to vector<16xi32>
      %mul3A_201 = arith.constant 16 : i32
      %mul3A_202 = arith.muli %add3A_195, %mul3A_201 : i32
      %get3A_203 = arith.index_cast %mul3A_202 : i32 to index
      %get3A_204 = tpu.vector_load %arg7[%get3A_203] {strides = array<i32>} : memref<4096xi32, #tpu.memory_space<vmem>>, vector<16xi32>,
      %get3A_205 = vector.shape_cast %get3A_204 : vector<16xi32> to vector<16xi32>
      %mul3A_206 = arith.constant 4096 : i32
      %mul3A_207 = vector.broadcast %mul3A_206 : i32 to vector<16xi32>
      %mul3A_208 = arith.muli %get3A_200, %mul3A_207 : vector<16xi32>
      %add3A_209 = arith.addi %mul3A_208, %get3A_205 : vector<16xi32>
      %mul3A_210 = arith.constant 16 : i32
      %mul3A_211 = arith.muli %add3A_195, %mul3A_210 : i32
      %swap3A_212 = arith.index_cast %mul3A_211 : i32 to index
      %swap3A_213 = tpu.vector_load %arg8[%swap3A_212] {strides = array<i32>} : memref<4096xi32, #tpu.memory_space<vmem>>, vector<16xi32>,
      %swap3A_214 = vector.shape_cast %swap3A_213 : vector<16xi32> to vector<16xi32>
      %swap3A_215 = vector.shape_cast %add3A_209 : vector<16xi32> to vector<16xi32>
      tpu.vector_store %arg8[%swap3A_212], %swap3A_215 {strides = array<i32>} : memref<4096xi32, #tpu.memory_space<vmem>>, vector<16xi32>,
    }
    %scan3A_8 = arith.constant 256 : i32
    %dma_start3A = arith.constant 0 : i32
    %dma_start3A_9 = tpu.memref_slice %arg4[%dma_start3A] : memref<16777216xf32, #tpu.memory_space<hbm>> -> memref<16777216xf32, #tpu.memory_space<hbm>>
    tpu.enqueue_indirect_dma source(%arg9 : memref<4096xf32, #tpu.memory_space<vmem>>) target(%dma_start3A_9 : memref<16777216xf32, #tpu.memory_space<hbm>>) offsets(%arg8 : memref<4096xi32, #tpu.memory_space<vmem>>) semaphore(%arg10 : memref<!tpu.dma_semaphore, #tpu.memory_space<semaphore_mem>>)
    %dma_wait3A = arith.constant 0 : i32
    %dma_wait3A_10 = tpu.memref_slice %arg4[%dma_wait3A] : memref<16777216xf32, #tpu.memory_space<hbm>> -> memref<16777216xf32, #tpu.memory_space<hbm>>
    tpu.wait_indirect_dma semaphore(%arg10 : memref<!tpu.dma_semaphore, #tpu.memory_space<semaphore_mem>>) src(%arg9 : memref<4096xf32, #tpu.memory_space<vmem>>) dst(%dma_wait3A_10 : memref<16777216xf32, #tpu.memory_space<hbm>>)
    return
  }
}

module attributes {stable_mosaic.version = 14 : i64} {
  func.func @_attn_body(%arg0: i32, %arg1: memref<256x4096xf32, #tpu.memory_space<vmem>>, %arg2: memref<4096x256xf32, #tpu.memory_space<vmem>>, %arg3: memref<256x64xf32, #tpu.memory_space<vmem>>, %arg4: memref<4096x64xf32, #tpu.memory_space<vmem>>, %arg5: memref<1x64xf32, #tpu.memory_space<vmem>>, %arg6: memref<256x256xf32, #tpu.memory_space<vmem>>, %arg7: memref<256x64xf32, #tpu.memory_space<vmem>>) attributes {dimension_semantics = [#tpu.dimension_semantics<arbitrary>], iteration_bounds = array<i64: 16>, scalar_prefetch = 0 : i64, scratch_operands = 0 : i64, tpu.core_type = #tpu.core_type<tc>, window_params = [{transform_indices = @transform_0, window_bounds = array<i64: 256, 4096>}, {transform_indices = @transform_1, window_bounds = array<i64: 4096, 256>}, {transform_indices = @transform_2, window_bounds = array<i64: 256, 64>}, {pipeline_mode = #tpu.pipeline_mode<synchronous>, transform_indices = @transform_3, window_bounds = array<i64: 4096, 64>}, {pipeline_mode = #tpu.pipeline_mode<synchronous>, transform_indices = @transform_4, window_bounds = array<i64: 1, 64>}, {pipeline_mode = #tpu.pipeline_mode<synchronous>, transform_indices = @transform_5, window_bounds = array<i64: 256, 256>}, {transform_indices = @transform_6, window_bounds = array<i64: 256, 64>}]} {
    %get3A = arith.constant 0 : index
    %get3A_0 = arith.constant 0 : index
    %get3A_1 = vector.load %arg3[%get3A, %get3A_0] : memref<256x64xf32, #tpu.memory_space<vmem>>, vector<256x64xf32>
    %get3A_2 = arith.constant 0 : index
    %get3A_3 = arith.constant 0 : index
    %get3A_4 = vector.load %arg4[%get3A_2, %get3A_3] : memref<4096x64xf32, #tpu.memory_space<vmem>>, vector<4096x64xf32>
    %get3A_5 = arith.constant 0 : index
    %get3A_6 = arith.constant 0 : index
    %get3A_7 = vector.load %arg5[%get3A_5, %get3A_6] : memref<1x64xf32, #tpu.memory_space<vmem>>, vector<1x64xf32>
    %mul3A = vector.broadcast %get3A_7 : vector<1x64xf32> to vector<256x64xf32>
    %mul3A_8 = arith.mulf %get3A_1, %mul3A : vector<256x64xf32>
    %dot_general3A = arith.constant dense<0.000000e+00> : vector<256x4096xf32>
    %dot_general3A_9 = tpu.matmul %mul3A_8, %get3A_4, %dot_general3A {dimension_numbers = #tpu.dot_dimension_numbers<[1], [1], [0], [0], [0, 0, 1, 0], [], []>, transpose_lhs_hint = false} : vector<256x64xf32>, vector<4096x64xf32>, vector<256x4096xf32> -> vector<256x4096xf32>
    %mul3A_10 = arith.constant 2.000000e-01 : f32
    %mul3A_11 = vector.broadcast %mul3A_10 : f32 to vector<256x4096xf32>
    %mul3A_12 = arith.mulf %mul3A_11, %dot_general3A_9 : vector<256x4096xf32>
    %max3A = arith.maximumf %dot_general3A_9, %mul3A_12 : vector<256x4096xf32>
    %get3A_13 = arith.constant 0 : index
    %get3A_14 = arith.constant 0 : index
    %get3A_15 = vector.load %arg6[%get3A_13, %get3A_14] : memref<256x256xf32, #tpu.memory_space<vmem>>, vector<256x256xf32>
    %get3A_16 = arith.constant 0 : index
    %get3A_17 = arith.constant 0 : index
    %get3A_18 = vector.load %arg2[%get3A_16, %get3A_17] : memref<4096x256xf32, #tpu.memory_space<vmem>>, vector<4096x256xf32>
    %dot_general3A_19 = arith.constant dense<0.000000e+00> : vector<256x4096xf32>
    %dot_general3A_20 = tpu.matmul %get3A_15, %get3A_18, %dot_general3A_19 {dimension_numbers = #tpu.dot_dimension_numbers<[1], [1], [0], [0], [0, 0, 1, 0], [], []>, transpose_lhs_hint = false} : vector<256x256xf32>, vector<4096x256xf32>, vector<256x4096xf32> -> vector<256x4096xf32>
    %get3A_21 = arith.constant 0 : index
    %get3A_22 = arith.constant 0 : index
    %get3A_23 = vector.load %arg1[%get3A_21, %get3A_22] : memref<256x4096xf32, #tpu.memory_space<vmem>>, vector<256x4096xf32>
    %add3A = arith.addf %get3A_23, %dot_general3A_20 : vector<256x4096xf32>
    %min3A = arith.constant 1.000000e+00 : f32
    %min3A_24 = vector.broadcast %min3A : f32 to vector<256x4096xf32>
    %min3A_25 = arith.minimumf %add3A, %min3A_24 : vector<256x4096xf32>
    %mul3A_26 = arith.constant 9.99999968E+37 : f32
    %mul3A_27 = vector.broadcast %mul3A_26 : f32 to vector<256x4096xf32>
    %mul3A_28 = arith.mulf %min3A_25, %mul3A_27 : vector<256x4096xf32>
    %sub3A = arith.constant 9.99999968E+37 : f32
    %sub3A_29 = vector.broadcast %sub3A : f32 to vector<256x4096xf32>
    %sub3A_30 = arith.subf %mul3A_28, %sub3A_29 : vector<256x4096xf32>
    %add3A_31 = arith.addf %max3A, %sub3A_30 : vector<256x4096xf32>
    %reduce_max3A = arith.constant dense<0xFF800000> : vector<256xf32>
    %reduce_max3A_32 = vector.multi_reduction <maximumf>, %add3A_31, %reduce_max3A [1] : vector<256x4096xf32> to vector<256xf32>
    %broadcast_in_dim3A = vector.shape_cast %reduce_max3A_32 : vector<256xf32> to vector<256x1xf32>
    %gt3A = arith.constant -9.99999993E+36 : f32
    %gt3A_33 = vector.broadcast %gt3A : f32 to vector<256x1xf32>
    %gt3A_34 = arith.cmpf ogt, %broadcast_in_dim3A, %gt3A_33 : vector<256x1xf32>
    %jit3A = arith.constant 0.000000e+00 : f32
    %broadcast_in_dim3A_35 = vector.broadcast %jit3A : f32 to vector<256x1xf32>
    %select_n3A = arith.select %gt3A_34, %broadcast_in_dim3A, %broadcast_in_dim3A_35 : vector<256x1xi1>, vector<256x1xf32>
    %sub3A_36 = vector.broadcast %select_n3A : vector<256x1xf32> to vector<256x4096xf32>
    %sub3A_37 = arith.subf %add3A_31, %sub3A_36 : vector<256x4096xf32>
    %exp3A = math.exp %sub3A_37 : vector<256x4096xf32>
    %reduce_sum3A = arith.constant dense<0.000000e+00> : vector<256xf32>
    %reduce_sum3A_38 = vector.multi_reduction <add>, %exp3A, %reduce_sum3A [1] : vector<256x4096xf32> to vector<256xf32>
    %broadcast_in_dim3A_39 = vector.shape_cast %reduce_sum3A_38 : vector<256xf32> to vector<256x1xf32>
    %div3A = arith.constant 1.000000e+00 : f32
    %div3A_40 = vector.broadcast %div3A : f32 to vector<256x1xf32>
    %div3A_41 = arith.divf %div3A_40, %broadcast_in_dim3A_39 : vector<256x1xf32>
    %jit3A_42 = arith.constant 0.000000e+00 : f32
    %broadcast_in_dim3A_43 = vector.broadcast %jit3A_42 : f32 to vector<256x1xf32>
    %select_n3A_44 = arith.select %gt3A_34, %div3A_41, %broadcast_in_dim3A_43 : vector<256x1xi1>, vector<256x1xf32>
    %mul3A_45 = vector.broadcast %select_n3A_44 : vector<256x1xf32> to vector<256x4096xf32>
    %mul3A_46 = arith.mulf %exp3A, %mul3A_45 : vector<256x4096xf32>
    %dot_general3A_47 = arith.constant dense<0.000000e+00> : vector<256x64xf32>
    %dot_general3A_48 = tpu.matmul %mul3A_46, %get3A_4, %dot_general3A_47 {dimension_numbers = #tpu.dot_dimension_numbers<[1], [0], [0], [1], [0, 0, 1, 1], [], []>, transpose_lhs_hint = false} : vector<256x4096xf32>, vector<4096x64xf32>, vector<256x64xf32> -> vector<256x64xf32>
    %swap3A = arith.constant 0 : index
    %swap3A_49 = arith.constant 0 : index
    %swap3A_50 = vector.load %arg7[%swap3A, %swap3A_49] : memref<256x64xf32, #tpu.memory_space<vmem>>, vector<256x64xf32>
    tpu.vector_store %arg7[%swap3A, %swap3A_49], %dot_general3A_48 {strides = array<i32>} : memref<256x64xf32, #tpu.memory_space<vmem>>, vector<256x64xf32>,
    return
  }
  func.func @transform_0(%arg0: i32) -> (i32, i32) {
    %c0_i32 = arith.constant 0 : i32
    %c0_i32_0 = arith.constant 0 : i32
    return %arg0, %c0_i32 : i32, i32
  }
  func.func @transform_1(%arg0: i32) -> (i32, i32) {
    %c0_i32 = arith.constant 0 : i32
    %c0_i32_0 = arith.constant 0 : i32
    return %c0_i32, %arg0 : i32, i32
  }
  func.func @transform_2(%arg0: i32) -> (i32, i32) {
    %c0_i32 = arith.constant 0 : i32
    %c0_i32_0 = arith.constant 0 : i32
    return %arg0, %c0_i32 : i32, i32
  }
  func.func @transform_3(%arg0: i32) -> (i32, i32) {
    %c0_i32 = arith.constant 0 : i32
    %c0_i32_0 = arith.constant 0 : i32
    %c0_i32_1 = arith.constant 0 : i32
    return %c0_i32, %c0_i32_0 : i32, i32
  }
  func.func @transform_4(%arg0: i32) -> (i32, i32) {
    %c0_i32 = arith.constant 0 : i32
    %c0_i32_0 = arith.constant 0 : i32
    %c0_i32_1 = arith.constant 0 : i32
    return %c0_i32, %c0_i32_0 : i32, i32
  }
  func.func @transform_5(%arg0: i32) -> (i32, i32) {
    %c0_i32 = arith.constant 0 : i32
    %c0_i32_0 = arith.constant 0 : i32
    %c0_i32_1 = arith.constant 0 : i32
    return %c0_i32, %c0_i32_0 : i32, i32
  }
  func.func @transform_6(%arg0: i32) -> (i32, i32) {
    %c0_i32 = arith.constant 0 : i32
    %c0_i32_0 = arith.constant 0 : i32
    return %arg0, %c0_i32 : i32, i32
  }
}

</mosaic_0001>

<sc_bundles>
// kernel: _run.4.cloned.1.call-start
scs
__scs_entry_jumppad:
0x0: {  	(pc) =	sbr.rel $0x88, $3  }
0x1: {  	(tag) =	ssettag $0x0;
	lr =	simm.s32 $0x1  }
0x2: {  	[smem:$0x3F9E] =	sst lr;
	_ =	strace $0xD0000000  }
0x3: {  	_ = 	snop  }
0x4: {  	_ = 	snop  }
0x5: {  	_ = 	snop  }
0x6: {  	_ = 	snop  }
0x7: {  	_ = 	snop  }
__scs_overlays_trampoline_lowered:
0x8: {  	[smem:$0x3FAD] =	sst s0  }
0x9: {  	[smem:$0x3FAE] =	sst s1  }
0xa: {  	[smem:$0x3FAF] =	sst s2  }
0xb: {  	[smem:$0x3FB0] =	sst s3  }
0xc: {  	[smem:$0x3FB1] =	sst s4  }
0xd: {  	[smem:$0x3FB2] =	sst s5  }
0xe: {  	[smem:$0x3FB3] =	sst s6  }
0xf: {  	[smem:$0x3FB4] =	sst s7  }
0x10: {  	[smem:$0x3FB5] =	sst s8  }
0x11: {  	[smem:$0x3FB6] =	sst s9;
	s0 =	simm.s32 @!p0 $0x0  }
0x12: {  	s1 =	sld [smem:$0x3F9C];
	s0 =	simm.s32 @p0 $0x1  }
0x13: {  	[smem:$0x3FB7] =	sst s0;
	s0 =	simm.s32 @!p1 $0x0  }
0x14: {  	s2 =	sld [smem:$0x3F9B];
	s0 =	simm.s32 @p1 $0x1  }
0x15: {  	[smem:$0x3FB8] =	sst s0;
	s0 =	simm.s32 @!p2 $0x0  }
0x16: {  	s3 =	sld [smem:$0x3FDB];
	s0 =	simm.s32 @p2 $0x1  }
0x17: {  	s4 =	simm.s32 $0x1BF5;
	[smem:$0x3FBA] =	sst s0  }
0x18: {  	s0 =	sld [smem:$0x3F9D];
	_ =	swait.ge [sflag:s4], $0x0  }
0x19: {  	s7 =	sld [smem:$0x3F9E]  }
0x1a: {  	s8 =	sadd.s32 $0xFFFFE003, lr  }
0x1b: {  	s9 =	sadd.s32 $0xFFFFFEF7, lr;
	s5 =	simm.s32 $0xFFFFFFFF;
	p2 =	slt.u32 s8, $0xFFFFF086  }
0x1c: {  	p1 =	slt.u32 s9, $0xF7A;
	s5 =	simm.s32 @!p2 $0x0  }
0x1d: {  	s5 =	simm.s32 @p1 $0x1;
	p0 =	seq.s32 s7, s2  }
0x1e: {  	s7 =	smul.u32 @!p0 $0xF7A, s2;
	p2 =	seq.s32 @!p0 s5, $0x0  }
0x1f: {  	s9 =	smul.u32 $0xF7A, s1;
	s8 =	simm.s32 @!p0 $0x1BF5;
	p2 =	por !p2, p0  }
0x20: {  	[sflag:s8] =	ssyncset.s32 @!p0 $0xFFFFF086;
	s6 =	sadd.s32 @!p0 s3, s7;
	s7 =	simm.s32 @!p0 $0x108  }
0x21: {  	s3 =	sadd.s32 s3, s9;
	s6 =	sadd.s32 @!p0 $0x88, s6;
	s7 =	simm.s32 @p2 $0x1082  }
0x22: {  	[simem:s7], [sflag:s8] =	dma.local @!p0 [hbm:s6], $0xF7A  }
0x23: {  	s9 =	sor.u32 $0xD0000000, s2;
	s6 =	simm.s32 $0x108;
	_ =	swait.ge @!p0 [sflag:s8], $0x0  }
0x24: {  	s3 =	sadd.s32 $0x88, s3;
	s6 =	simm.s32 @!p1 $0x1082;
	[sflag:s4] =	ssyncset.s32 $0xFFFFF086  }
0x25: {  	[simem:s6], [sflag:s4] =	dma.local [hbm:s3], $0xF7A  }
0x26: {  	[smem:$0x3F9E] =	sst s1;
	(tag) =	ssettag s2;
	_ =	strace s9  }
0x27: {  	s1 =	sld [smem:$0x3FAE]  }
0x28: {  	s2 =	sld [smem:$0x3FAF]  }
0x29: {  	s4 =	sld [smem:$0x3FB1]  }
0x2a: {  	p0 =	seq.s32 s5, $0x0;
	s5 =	sld [smem:$0x3FB2]  }
0x2b: {  	s6 =	sld [smem:$0x3FB3]  }
0x2c: {  	s7 =	sld [smem:$0x3FB4]  }
0x2d: {  	s3 =	simm.s32 $0x108;
	s8 =	sld [smem:$0x3FB5]  }
0x2e: {  	s3 =	simm.s32 @!p0 $0x1082;
	s9 =	sld [smem:$0x3FB6]  }
0x2f: {  	lr =	sadd.s32 s0, s3;
	s0 =	sld [smem:$0x3FAD]  }
0x30: {  	s3 =	sld [smem:$0x3FB0]  }
0x31: {  	[smem:$0x3FB9] =	sst s10  }
0x32: {  	s10 =	sld [smem:$0x3FB7];
	_ =	sdelay $0x3  }
0x33: {  	p0 =	seq.s32 s10, $0x1;
	s10 =	sld [smem:$0x3FB9];
	_ =	sdelay $0x3  }
0x34: {  	[smem:$0x3FB9] =	sst s10  }
0x35: {  	s10 =	sld [smem:$0x3FB8];
	_ =	sdelay $0x3  }
0x36: {  	p1 =	seq.s32 s10, $0x1;
	s10 =	sld [smem:$0x3FB9];
	_ =	sdelay $0x3  }
0x37: {  	[smem:$0x3FB9] =	sst s10  }
0x38: {  	s10 =	sld [smem:$0x3FBA]  }
0x39: {  	_ = 	snop;
	(pc) =	sbr.ind lr, $3  }
0x3a: {  	_ = 	snop  }
0x3b: {  	_ = 	snop  }
0x3c: {  	p2 =	seq.s32 s10, $0x1;
	s10 =	sld [smem:$0x3FB9]  }
0x3d: {  	_ =	shalt  }
0x3e: {  	_ =	shalt  }
0x3f: {  	_ =	shalt  }
0x40: {  	_ =	shalt  }
0x41: {  	_ =	shalt  }
0x42: {  	_ =	shalt  }
0x43: {  	_ =	shalt  }
0x44: {  	_ =	shalt  }
0x45: {  	_ =	shalt  }
0x46: {  	_ =	shalt  }
0x47: {  	_ =	shalt  }
0x48: {  	_ =	shalt  }
0x49: {  	_ =	shalt  }
0x4a: {  	_ =	shalt  }
0x4b: {  	_ =	shalt  }
0x4c: {  	_ =	shalt  }
0x4d: {  	_ =	shalt  }
0x4e: {  	_ =	shalt  }
0x4f: {  	_ =	shalt  }
0x50: {  	_ =	shalt  }
0x51: {  	_ =	shalt  }
0x52: {  	_ =	shalt  }
0x53: {  	_ =	shalt  }
0x54: {  	_ =	shalt  }
0x55: {  	_ =	shalt  }
0x56: {  	_ =	shalt  }
0x57: {  	_ =	shalt  }
0x58: {  	_ =	shalt  }
0x59: {  	_ =	shalt  }
0x5a: {  	_ =	shalt  }
0x5b: {  	_ =	shalt  }
0x5c: {  	_ =	shalt  }
0x5d: {  	_ =	shalt  }
0x5e: {  	_ =	shalt  }
0x5f: {  	_ =	shalt  }
0x60: {  	_ =	shalt  }
0x61: {  	_ =	shalt  }
0x62: {  	_ =	shalt  }
0x63: {  	_ =	shalt  }
0x64: {  	_ =	shalt  }
0x65: {  	_ =	shalt  }
0x66: {  	_ =	shalt  }
0x67: {  	_ =	shalt  }
0x68: {  	_ =	shalt  }
0x69: {  	_ =	shalt  }
0x6a: {  	_ =	shalt  }
0x6b: {  	_ =	shalt  }
0x6c: {  	_ =	shalt  }
0x6d: {  	_ =	shalt  }
0x6e: {  	_ =	shalt  }
0x6f: {  	_ =	shalt  }
0x70: {  	_ =	shalt  }
0x71: {  	_ =	shalt  }
0x72: {  	_ =	shalt  }
0x73: {  	_ =	shalt  }
0x74: {  	_ =	shalt  }
0x75: {  	_ =	shalt  }
0x76: {  	_ =	shalt  }
0x77: {  	_ =	shalt  }
0x78: {  	_ =	shalt  }
0x79: {  	_ =	shalt  }
0x7a: {  	_ =	shalt  }
0x7b: {  	_ =	shalt  }
0x7c: {  	_ =	shalt  }
0x7d: {  	_ =	shalt  }
0x7e: {  	_ =	shalt  }
0x7f: {  	_ =	shalt  }
0x80: {  	_ =	shalt  }
0x81: {  	_ =	shalt  }
0x82: {  	_ =	shalt  }
0x83: {  	_ =	shalt  }
0x84: {  	_ =	shalt  }
0x85: {  	_ =	shalt  }
0x86: {  	_ =	shalt  }
0x87: {  	_ =	shalt  }
.Lfunc_end0:
.L_simem_size_0:
called_computation_lowered:
.L_overlay_start_0:
0x88: {  	s2 =	sld [smem:$0x3FD9]  }
0x89: {  	s3 =	sld [smem:$0x3FFE];
	_ =	sdelay $0x1  }
0x8a: {  	s1 =	srdreg.scid  }
0x8b: {  	s0 =	sand.u32 $0x1, s1  }
0x8c: {  	s17 =	sshll.u32 s0, $0xA;
	s2 =	sadd.s32 s3, s2  }
0x8d: {  	s2 =	sadd.s32 s2, s17  }
0x8e: {  	[smem:$0x3FC5] =	sst s2  }
0x8f: {  	_ = 	snop  }
0x90: {  	s2 =	sld [smem:$0x3FD0];
	(tm) =	ssettm $0x1  }
0x91: {  	s18 =	sld [smem:$0x3FFB];
	_ =	sdelay $0x3  }
0x92: {  	_ =	strace s18  }
0x93: {  	s3 =	sld [smem:$0x3FFC];
	_ =	sdelay $0x3  }
0x94: {  	_ =	strace s3  }
0x95: {  	s3 =	sld [smem:$0x3FFD];
	_ =	sdelay $0x3  }
0x96: {  	_ =	strace s3  }
0x97: {  	_ =	strace $0x8FFFFFFF  }
0x98: {  	s19 =	sld [smem:$0x3FDB];
	_ =	sdelay $0x1  }
0x99: {  	s4 =	simm.s32 $_scs_section_size  }
0x9a: {  	s5 =	simm.s32 $_size__tile_overlayer_lowered;
	s6 =	simm.s32 $_tile_overlayer_lowered  }
0x9b: {  	s22 =	simm.s32 $0x1BFF;
	s21 =	sshll.u32 s6, $0x1;
	s3 =	sadd.s32 s4, s19  }
0x9c: {  	s7 =	simm.s32 $0x0;
	s20 =	sshll.u32 s5, $0x1;
	s5 =	sadd.s32 s21, s3  }
0x9d: {  	[timem:s7], [sflag:s22] =	dma.local [hbm:s5], s20  }
0x9e: {  	_ =	swait.ge [sflag:s22], s20  }
0x9f: {  	s4 =	ssub.s32 $0x0, s20;
	[sflag:s22] =	ssyncset.done $0x0  }
0xa0: {  	[sflag:s22] =	ssyncadd.s32 s4;
	_ =	sdelay $0x1  }
0xa1: {  	s23 =	simm.s32 $0x1B8B  }
0xa2: {  	_ =	swait.ge [sflag:s23], $0x1  }
0xa3: {  	[sflag:s23] =	ssyncset.done $0x0  }
0xa4: {  	s25 =	simm.s32 $0x1B8E;
	s24 =	sld [smem:$0x3FFE];
	[sflag:s23] =	ssyncadd.s32 $0xFFFFFFFF  }
0xa5: {  	s26 =	simm.s32 $execute0_lowered;
	[smem:$0x3FD2] =	sst s25  }
0xa6: {  	s5 =	sshll.u32 s26, $0x1;
	_ =	strace $0x80000046;
	[dreg:$0x1] =	wrdreg $0xFFFFFFFF  }
0xa7: {  	s28 =	simm.s32 $_size_execute0_lowered;
	s3 =	sadd.s32 s3, s5;
	[dreg:$0x0] =	wrdreg $0x0  }
0xa8: {  	s5 =	sshll.u32 s28, $0x1;
	[dreg:$0x2] =	wrdreg s3  }
0xa9: {  	[dreg:$0x3] =	wrdreg s5  }
0xaa: {  	[dreg:$0x4] =	wrdreg $0xC0  }
0xab: {  	_ =	task [dreg:s7], $0x5FFFF  }
0xac: {  	[dreg:$0x1] =	wrdreg $0xFFFFFFFF  }
0xad: {  	[dreg:$0x0] =	wrdreg $0x60  }
0xae: {  	[dreg:$0x2] =	wrdreg s2  }
0xaf: {  	[dreg:$0x3] =	wrdreg s24  }
0xb0: {  	[dreg:$0x4] =	wrdreg $0x9  }
0xb1: {  	_ =	task.clear_ibuf [dreg:s7], $0x5FFFF;
	_ =	strace $0x90000046  }
0xb2: {  	s29 =	simm.s32 $0x9;
	_ =	strace $0x80000048  }
0xb3: {  	_ =	swait.ge [sflag:s29], $0x1  }
0xb4: {  	[sflag:s29] =	ssyncadd.s32 $0xFFFFFFFF  }
0xb5: {  	_ =	strace $0x90000048  }
0xb6: {  	_ =	sfence  }
0xb7: {  	s30 =	sld [smem:$0x0];
	_ =	sdelay $0x2  }
0xb8: {  	s31 =	sshll.u32 s1, $0xD;
	s1 =	sshrl.u32 s1, $0x2  }
0xb9: {  	s3 =	sand.u32 $0x4000, s31;
	s1 =	sadd.s32 s1, s30  }
0xba: {  	s0 =	sor.u32 s3, s0;
	s1 =	sshll.u32 s1, $0x11  }
0xbb: {  	s0 =	sor.u32 s1, s0  }
0xbc: {  	s0 =	sadd.s32 $0x8F2B, s0  }
0xbd: {  	[sflag:s0] =	ssyncadd.remote.s32 $0x1  }
0xbe: {  	_ =	sfence.sel $0xFFFF  }
0xbf: {  	[dreg:$0x0] =	wrdreg $0xFFFFFFFF;
	(pc) =	sbr.abs _section_cstart, $3  }
0xc0: {  	[dreg:$0x1] =	wrdreg $0xFFFFFFFF  }
0xc1: {  	_ =	task.clear_ibuf [dreg:s7], $0x2FFFF;
	_ =	strace $0x9FFFFFFF  }
0xc2: {  	(tm) =	ssettm $0x7FFFFFFF  }
0xc3: {  	_ =	shalt  }
tec
execute0_lowered:
.L_overlay_start_1:
0x0: {  	(tag) =	ssettag $0x1  }
0x1: {  	s4 =	rddreg [dreg:$0x0]  }
0x2: {  	s5 =	rddreg [dreg:$0x1]  }
0x3: {  	s0 =	rddreg [dreg:$0x2];
	s2 =	simm.s32 $0x0;
	s3 =	srdreg.scid  }
0x4: {  	s1 =	stileid.u32;
	s9 =	simm.s32 $0x1000;
	s10 =	simm.s32 $0x3000  }
0x5: {  	s11 =	simm.s32 $0x2000;
	s12 =	simm.s32 $0x1;
	s13 =	simm.s32 $0x0  }
0x6: {  	[smem:$0x7FF] =	sst s2;
	s3 =	sand.u32 $0x1, s3;
	s7 =	sshll.u32 s1, $0xA  }
0x7: {  	s6 =	ssub.s32 $0x2, s3;
	s3 =	sshll.u32 s3, $0x9;
	_ =	strace $0x80000047  }
0x8: {  	s8 =	sshrl.u32 s6, $0x1;
	s7 =	sor.u32 s3, s7;
	s3 =	sadd.s32 $0x200800, s5  }
0x9: {  	s5 =	sadd.s32 $0x800, s5;
	s8 =	ssub.s32 s6, s8;
	s4 =	sadd.s32 s4, s7  }
0xa: {  	s6 =	sadd.s32 $0x4000, s4;
	s7 =	smax.u32 s8, $0x1;
	s8 =	simm.s32 $0x2  }
.LBB2_1:
0xb: {  	[tilespmem:s2], [sflag:$0x2] =	stream.linear.gather [hbm4b:s4+s2], $0x1000, $0x38;
	[tilespmem:$0x4000] =	vst v63  }
0xc: {  	_ =	swait.ge [sflag:s8], $0x1000  }
0xd: {  	[sflag:s8] =	ssyncset.done $0x0  }
0xe: {  	[sflag:s8] =	ssyncadd.s32 $0xFFFFF000  }
0xf: {  	[tilespmem:s9], [sflag:$0x2] =	stream.linear.gather [hbm4b:s6+s2], $0x1000, $0x38;
	[tilespmem:$0x4000] =	vst v63  }
0x10: {  	_ =	swait.ge [sflag:s8], $0x1000  }
0x11: {  	[sflag:s8] =	ssyncset.done $0x0  }
0x12: {  	[sflag:s8] =	ssyncadd.s32 $0xFFFFF000  }
0x13: {  	[tilespmem:s10], [sflag:$0x2] =	stream.linear.gather [hbm4b:s3+s2], $0x1000, $0x38;
	[tilespmem:$0x4000] =	vst v63  }
0x14: {  	_ =	swait.ge [sflag:s8], $0x1000  }
0x15: {  	[sflag:s8] =	ssyncset.done $0x0  }
0x16: {  	s14 =	simm.s32 $0x40;
	[sflag:s8] =	ssyncadd.s32 $0xFFFFF000  }
0x17: {  	s15 =	simm.s32 $0x1040;
	v0 =	vld [tilespmem:s14+$0xFFFFFFC0]  }
0x18: {  	v1 =	vld [tilespmem:s15+$0xFFFFFFC0];
	_ =	sdelay $0x3  }
0x19: {  	v0 =	vshll.u32 v0, $0xC  }
0x1a: {  	s16 =	simm.s32 $0x2040;
	v0 =	vadd.s32 v1, v0  }
0x1b: {  	[tilespmem:s16+$0xFFFFFFC0] =	vst v0  }
0x1c: {  	v0 =	vld [tilespmem:s14+$0xFFFFFFD0]  }
0x1d: {  	v1 =	vld [tilespmem:s15+$0xFFFFFFD0];
	_ =	sdelay $0x3  }
0x1e: {  	v0 =	vshll.u32 v0, $0xC  }
0x1f: {  	v0 =	vadd.s32 v1, v0  }
0x20: {  	[tilespmem:s16+$0xFFFFFFD0] =	vst v0  }
0x21: {  	v0 =	vld [tilespmem:s14+$0xFFFFFFE0]  }
0x22: {  	v1 =	vld [tilespmem:s15+$0xFFFFFFE0];
	_ =	sdelay $0x3  }
0x23: {  	v0 =	vshll.u32 v0, $0xC  }
0x24: {  	v0 =	vadd.s32 v1, v0  }
0x25: {  	[tilespmem:s16+$0xFFFFFFE0] =	vst v0  }
0x26: {  	v0 =	vld [tilespmem:s14+$0xFFFFFFF0]  }
0x27: {  	v1 =	vld [tilespmem:s15+$0xFFFFFFF0];
	_ =	sdelay $0x3  }
0x28: {  	v0 =	vshll.u32 v0, $0xC  }
0x29: {  	v0 =	vadd.s32 v1, v0  }
0x2a: {  	[tilespmem:s16+$0xFFFFFFF0] =	vst v0  }
0x2b: {  	v0 =	vld [tilespmem:s14+$0x0]  }
0x2c: {  	v1 =	vld [tilespmem:s15+$0x0];
	_ =	sdelay $0x3  }
0x2d: {  	v0 =	vshll.u32 v0, $0xC  }
0x2e: {  	v0 =	vadd.s32 v1, v0  }
0x2f: {  	[tilespmem:s16+$0x0] =	vst v0  }
0x30: {  	v0 =	vld [tilespmem:s14+$0x10]  }
0x31: {  	v1 =	vld [tilespmem:s15+$0x10];
	_ =	sdelay $0x3  }
0x32: {  	v0 =	vshll.u32 v0, $0xC  }
0x33: {  	v0 =	vadd.s32 v1, v0  }
0x34: {  	[tilespmem:s16+$0x10] =	vst v0  }
0x35: {  	v0 =	vld [tilespmem:s14+$0x20]  }
0x36: {  	v1 =	vld [tilespmem:s15+$0x20];
	_ =	sdelay $0x3  }
0x37: {  	v0 =	vshll.u32 v0, $0xC  }
0x38: {  	v0 =	vadd.s32 v1, v0  }
0x39: {  	[tilespmem:s16+$0x20] =	vst v0  }
0x3a: {  	v0 =	vld [tilespmem:s14+$0x30]  }
0x3b: {  	v1 =	vld [tilespmem:s15+$0x30];
	_ =	sdelay $0x3  }
0x3c: {  	v0 =	vshll.u32 v0, $0xC  }
0x3d: {  	s17 =	simm.s32 $0x0;
	s18 =	simm.s32 $0x20C0;
	v0 =	vadd.s32 v1, v0  }
.LBB2_2:
0x3e: {  	s17 =	sadd.s32 $0x8, s17;
	[tilespmem:s16+$0x30] =	vst v0;
	s14 =	sadd.s32 $0x80, s14;
	s15 =	sadd.s32 $0x80, s15  }
0x3f: {  	s16 =	smov.u32 s18;
	v0 =	vld [tilespmem:s14+$0xFFFFFFC0];
	p0 =	slt.u32 s17, $0xF8  }
0x40: {  	v1 =	vld [tilespmem:s15+$0xFFFFFFC0];
	_ =	sdelay $0x3  }
0x41: {  	v0 =	vshll.u32 v0, $0xC  }
0x42: {  	v0 =	vadd.s32 v1, v0  }
0x43: {  	[tilespmem:s18+$0xFFFFFFC0] =	vst v0  }
0x44: {  	v0 =	vld [tilespmem:s14+$0xFFFFFFD0]  }
0x45: {  	v1 =	vld [tilespmem:s15+$0xFFFFFFD0];
	_ =	sdelay $0x3  }
0x46: {  	v0 =	vshll.u32 v0, $0xC  }
0x47: {  	v0 =	vadd.s32 v1, v0  }
0x48: {  	[tilespmem:s18+$0xFFFFFFD0] =	vst v0  }
0x49: {  	v0 =	vld [tilespmem:s14+$0xFFFFFFE0]  }
0x4a: {  	v1 =	vld [tilespmem:s15+$0xFFFFFFE0];
	_ =	sdelay $0x3  }
0x4b: {  	v0 =	vshll.u32 v0, $0xC  }
0x4c: {  	v0 =	vadd.s32 v1, v0  }
0x4d: {  	[tilespmem:s18+$0xFFFFFFE0] =	vst v0  }
0x4e: {  	v0 =	vld [tilespmem:s14+$0xFFFFFFF0]  }
0x4f: {  	v1 =	vld [tilespmem:s15+$0xFFFFFFF0];
	_ =	sdelay $0x3  }
0x50: {  	v0 =	vshll.u32 v0, $0xC  }
0x51: {  	v0 =	vadd.s32 v1, v0  }
0x52: {  	[tilespmem:s18+$0xFFFFFFF0] =	vst v0  }
0x53: {  	v0 =	vld [tilespmem:s14+$0x0]  }
0x54: {  	v1 =	vld [tilespmem:s15+$0x0];
	_ =	sdelay $0x3  }
0x55: {  	v0 =	vshll.u32 v0, $0xC  }
0x56: {  	v0 =	vadd.s32 v1, v0  }
0x57: {  	[tilespmem:s18+$0x0] =	vst v0  }
0x58: {  	v0 =	vld [tilespmem:s14+$0x10]  }
0x59: {  	v1 =	vld [tilespmem:s15+$0x10];
	_ =	sdelay $0x3  }
0x5a: {  	v0 =	vshll.u32 v0, $0xC  }
0x5b: {  	v0 =	vadd.s32 v1, v0  }
0x5c: {  	[tilespmem:s18+$0x10] =	vst v0  }
0x5d: {  	v0 =	vld [tilespmem:s14+$0x20]  }
0x5e: {  	v1 =	vld [tilespmem:s15+$0x20];
	_ =	sdelay $0x3  }
0x5f: {  	v0 =	vshll.u32 v0, $0xC  }
0x60: {  	v0 =	vadd.s32 v1, v0  }
0x61: {  	[tilespmem:s18+$0x20] =	vst v0  }
0x62: {  	v0 =	vld [tilespmem:s14+$0x30]  }
0x63: {  	v1 =	vld [tilespmem:s15+$0x30]  }
.Ltmp0:
0x64: {  	(pc) =	sbr.rel @p0 .LBB2_2-.Ltmp0, $3  }
0x65: {  	_ =	sdelay $0x1  }
0x66: {  	v0 =	vshll.u32 v0, $0xC  }
0x67: {  	s18 =	sadd.s32 $0x80, s18;
	v0 =	vadd.s32 v1, v0  }
0x68: {  	s13 =	sadd.s32 $0x1, s13  }
0x69: {  	p0 =	sne.s32 s13, s7  }
.Ltmp1:
0x6a: {  	[tilespmem:s16+$0x30] =	vst v0;
	(pc) =	sbr.rel @p0 .LBB2_1-.Ltmp1, $4  }
0x6b: {  	[hbm4b:s5+s9] =	stream.indirect.scatter [tilespmem:s10], [sflag:$0x1], $0x1, s11, s9, $0xb8;
	[tilespmem:$0x4000] =	vst v63  }
0x6c: {  	_ =	swait.ge [sflag:s12], $0x1000  }
0x6d: {  	[sflag:s12] =	ssyncset.done $0x0  }
0x6e: {  	[sflag:s12] =	ssyncadd.s32 $0xFFFFF000  }
0x6f: {  	_ =	sfence.sel $0x180000  }
0x70: {  	[bflag:$0x0] =	sbarrier.arrive $0xFFFF  }
0x71: {  	p0 =	sne.s32 s1, $0x0;
	_ =	strace $0x90000047  }
0x72: {  	s0 =	sadd.s32 @!p0 $0x100000, s0;
	[bflag:$0x2] =	sbarrier.arrive $0xFFFF  }
0x73: {  	[sflag:s0] =	ssyncadd.tile.s32 @!p0 $0x1;
	_ =	shalt  }
.Lfunc_end2:
_tile_overlayer_lowered:
.L_overlay_start_2:
0x74: {  	(tag) =	ssettag $0x2  }
0x75: {  	s0 =	rddreg [dreg:$0x0];
	s2 =	stileid.u32  }
0x76: {  	s1 =	rddreg [dreg:$0x1];
	p0 =	sne.s32 s2, $0x0  }
0x77: {  	s3 =	rddreg [dreg:$0x2];
	[bflag:$0x3] =	sbarrier.arrive $0xFFFF;
	s2 =	simm.s32 @!p0 $0x1C02  }
0x78: {  	[timem:s3], [sflag:s2] =	dma.local @!p0 [hbm:s0], s1  }
0x79: {  	s0 =	simm.s32 @!p0 $0x2  }
0x7a: {  	_ =	swait.ge @!p0 [sflag:s0], s1  }
0x7b: {  	s1 =	ssub.s32 @!p0 $0x0, s1;
	[sflag:s0] =	ssyncset.done @!p0 $0x0  }
0x7c: {  	[sflag:s0] =	ssyncadd.s32 @!p0 s1  }
0x7d: {  	[bflag:$0x3] =	sbarrier.arrive $0xFFFF  }
0x7e: {  	_ =	shalt  }

</sc_bundles>
